<compile_context>
chip_gen: v7x
topology: tpu7x:2x2x1
jax: 0.10.2.dev20260603
libtpu: 0.0.44.dev20260713+nightly
codegen_flags: <defaults>
</compile_context>

<pallas_src>
import functools

import jax
import jax.numpy as jnp
from jax import lax
from jax.experimental import pallas as pl
from jax.experimental.pallas import tpu as pltpu
from jax.experimental.pallas import tpu_sc as plsc

H = 768
E = 8
FF = 4 * H
T = 2048
NEG = -1e30

BLK = 256
BLK_LOG2 = 8
SNB = 24
S = SNB * BLK
NW = 32
TPT = T // NW



def _gating_body(x_ref, gw_ref, gb_ref,
                 cidx_ref, wv_ref, meta_ref, laux_ref, cnt_ref):
    x = x_ref[...]
    gw = gw_ref[...]
    gb = gb_ref[...]
    lt = lax.dot_general(gw, x, (((1,), (1,)), ((), ())),
                         preferred_element_type=jnp.float32) + gb
    rows = lax.broadcasted_iota(jnp.int32, (E, T), 0)
    m1 = jnp.max(lt, axis=0, keepdims=True)
    e1 = jnp.min(jnp.where(lt == m1, rows, E), axis=0, keepdims=True)
    mask1 = (rows == e1)
    lt2 = jnp.where(mask1, NEG, lt)
    m2 = jnp.max(lt2, axis=0, keepdims=True)
    e2 = jnp.min(jnp.where(lt2 == m2, rows, E), axis=0, keepdims=True)
    mask2 = (rows == e2)
    w1 = 1.0 / (1.0 + jnp.exp(m2 - m1))
    w2 = 1.0 - w1
    wv_ref[...] = jnp.concatenate([w1, w2], axis=0)

    p = jnp.exp(lt - m1)
    p = p / jnp.sum(p, axis=0, keepdims=True)
    pm = jnp.mean(p, axis=1, keepdims=True)
    laux_ref[0, 0] = jnp.sum(pm * pm) * E

    oh = jnp.where(jnp.logical_or(mask1, mask2), 1.0, 0.0)
    pre = oh
    k = 1
    while k < T:
        shifted = jnp.concatenate(
            [jnp.zeros((E, k), jnp.float32), pre[:, :T - k]], axis=1)
        pre = pre + shifted
        k *= 2
    ranks = pre - oh

    cnt = jnp.sum(oh, axis=1, keepdims=True)
    cnt_ref[...] = cnt

    cnt_i = cnt.astype(jnp.int32)
    padded = ((cnt_i + (BLK - 1)) >> BLK_LOG2) << BLK_LOG2
    off = padded
    k = 1
    while k < E:
        off = off + jnp.concatenate(
            [jnp.zeros((k, 1), jnp.int32), off[:E - k]], axis=0)
        k *= 2
    offs = off - padded
    total = jnp.sum(padded, axis=0, keepdims=True)
    nreal = total >> BLK_LOG2

    pos = offs.astype(jnp.float32) + ranks
    pos0 = jnp.sum(jnp.where(mask1, pos, 0.0), axis=0, keepdims=True)
    pos1 = jnp.sum(jnp.where(mask2, pos, 0.0), axis=0, keepdims=True)
    cidx_ref[...] = jnp.concatenate([pos0, pos1], axis=0).astype(jnp.int32)

    lanes = lax.broadcasted_iota(jnp.int32, (1, SNB), 1)
    xb = jnp.minimum(lanes, nreal - 1)
    cmp = (xb * BLK >= offs).astype(jnp.int32)
    wb = jnp.sum(cmp, axis=0, keepdims=True) - 1
    nr = nreal + jnp.zeros((1, SNB), jnp.int32)
    meta_ref[...] = jnp.concatenate([xb, wb, nr], axis=0)


def _gating(x2d, gate_w, gate_b):
    return pl.pallas_call(
        _gating_body,
        out_shape=(
            jax.ShapeDtypeStruct((2, T), jnp.int32),
            jax.ShapeDtypeStruct((2, T), jnp.float32),
            jax.ShapeDtypeStruct((3, SNB), jnp.int32),
            jax.ShapeDtypeStruct((1, 1), jnp.float32),
            jax.ShapeDtypeStruct((E, 1), jnp.float32),
        ),
        out_specs=(
            pl.BlockSpec(memory_space=pltpu.VMEM),
            pl.BlockSpec(memory_space=pltpu.VMEM),
            pl.BlockSpec(memory_space=pltpu.VMEM),
            pl.BlockSpec(memory_space=pltpu.SMEM),
            pl.BlockSpec(memory_space=pltpu.VMEM),
        ),
    )(x2d, gate_w, gate_b.reshape(E, 1))



_MESH = dict(core_axis_name="c", subcore_axis_name="s")


@functools.partial(
    pl.kernel,
    out_type=jax.ShapeDtypeStruct((S, H), jnp.float32),
    mesh=plsc.VectorSubcoreMesh(**_MESH),
    compiler_params=pltpu.CompilerParams(needs_layout_passes=False),
    scratch_types=[
        pltpu.VMEM((TPT,), jnp.int32),
        pltpu.VMEM((TPT,), jnp.int32),
        pltpu.VMEM((TPT, H), jnp.float32),
        pltpu.SemaphoreType.DMA,
        pltpu.SemaphoreType.DMA,
    ],
)
def _dispatch(x_hbm, cidx_hbm, xs_hbm, i0_v, i1_v, rows_v, s0, s1):
    wid = lax.axis_index("s") * 2 + lax.axis_index("c")
    tb = wid * TPT
    pltpu.sync_copy(cidx_hbm.at[wid, 0], i0_v)
    pltpu.sync_copy(cidx_hbm.at[wid, 1], i1_v)
    pltpu.sync_copy(x_hbm.at[pl.ds(tb, TPT), :], rows_v)
    d0 = pltpu.async_copy(rows_v, xs_hbm.at[i0_v], s0)
    d1 = pltpu.async_copy(rows_v, xs_hbm.at[i1_v], s1)
    d0.wait()
    d1.wait()



def _gffn_body(xblk_s, wblk_s, nreal_s,
               x_ref, w1_ref, b1_ref, w2_ref, b2_ref, out_ref):
    @pl.when(pl.program_id(0) < nreal_s[0])
    def _():
        xb = x_ref[...]
        h = lax.dot_general(xb.astype(jnp.bfloat16),
                            w1_ref[0].astype(jnp.bfloat16),
                            (((1,), (1,)), ((), ())),
                            preferred_element_type=jnp.float32)
        h = h + b1_ref[0]
        h = 0.5 * h * (1.0 + lax.erf(h * 0.7071067811865476))
        part = lax.dot_general(h.astype(jnp.bfloat16),
                               w2_ref[0].astype(jnp.bfloat16),
                               (((1,), (1,)), ((), ())),
                               preferred_element_type=jnp.float32)
        out_ref[...] = part + b2_ref[0]


def _gffn(xblk, wblk, nreal, xs, W1, b1, W2, b2):
    grid_spec = pltpu.PrefetchScalarGridSpec(
        num_scalar_prefetch=3,
        grid=(SNB,),
        in_specs=[
            pl.BlockSpec((BLK, H), lambda i, xb, wb, nr: (xb[i], 0)),
            pl.BlockSpec((1, FF, H), lambda i, xb, wb, nr: (wb[i], 0, 0)),
            pl.BlockSpec((1, 1, FF), lambda i, xb, wb, nr: (wb[i], 0, 0)),
            pl.BlockSpec((1, H, FF), lambda i, xb, wb, nr: (wb[i], 0, 0)),
            pl.BlockSpec((1, 1, H), lambda i, xb, wb, nr: (wb[i], 0, 0)),
        ],
        out_specs=pl.BlockSpec((BLK, H), lambda i, xb, wb, nr: (xb[i], 0)),
    )
    return pl.pallas_call(
        _gffn_body,
        grid_spec=grid_spec,
        out_shape=jax.ShapeDtypeStruct((S, H), jnp.float32),
    )(xblk, wblk, nreal, xs, W1, b1.reshape(E, 1, FF), W2,
      b2.reshape(E, 1, H))



@functools.partial(
    pl.kernel,
    out_type=jax.ShapeDtypeStruct((T, H), jnp.float32),
    mesh=plsc.VectorSubcoreMesh(**_MESH),
    compiler_params=pltpu.CompilerParams(needs_layout_passes=False),
    scratch_types=[
        pltpu.VMEM((TPT,), jnp.int32),
        pltpu.VMEM((TPT,), jnp.int32),
        pltpu.VMEM((TPT, H), jnp.float32),
        pltpu.VMEM((TPT, H), jnp.float32),
        pltpu.VMEM((TPT,), jnp.float32),
        pltpu.VMEM((TPT,), jnp.float32),
        pltpu.SemaphoreType.DMA,
        pltpu.SemaphoreType.DMA,
    ],
)
def _combine(ffn_hbm, cidx_hbm, wv_hbm, out_hbm,
             i0_v, i1_v, r0_v, r1_v, w0_v, w1_v, sem0, sem1):
    wid = lax.axis_index("s") * 2 + lax.axis_index("c")
    tb = wid * TPT
    pltpu.sync_copy(cidx_hbm.at[wid, 0], i0_v)
    pltpu.sync_copy(cidx_hbm.at[wid, 1], i1_v)
    pltpu.sync_copy(wv_hbm.at[wid, 0], w0_v)
    pltpu.sync_copy(wv_hbm.at[wid, 1], w1_v)
    d0 = pltpu.async_copy(ffn_hbm.at[i0_v], r0_v, sem0)
    d1 = pltpu.async_copy(ffn_hbm.at[i1_v], r1_v, sem1)
    d0.wait()
    d1.wait()

    def comb_row(r, carry):
        grp = (r >> 4) << 4
        lane = r - grp
        w0g = w0_v[pl.ds(grp, 16)]
        w1g = w1_v[pl.ds(grp, 16)]
        idx = (jnp.zeros((16,), jnp.int32) + lane)[:, None]
        dn = lax.GatherDimensionNumbers(
            offset_dims=(), collapsed_slice_dims=(0,), start_index_map=(0,))
        w0s = lax.gather(w0g, idx, dn, (1,),
                         mode=lax.GatherScatterMode.PROMISE_IN_BOUNDS)
        w1s = lax.gather(w1g, idx, dn, (1,),
                         mode=lax.GatherScatterMode.PROMISE_IN_BOUNDS)
        for c in range(H // 16):
            sl = pl.ds(c * 16, 16)
            r0_v[r, sl] = r0_v[r, sl] * w0s + r1_v[r, sl] * w1s
        return carry

    lax.fori_loop(0, TPT, comb_row, 0)
    pltpu.sync_copy(r0_v, out_hbm.at[pl.ds(tb, TPT), :])



def kernel(x, gate_w, gate_b, W1, b1, W2, b2):
    bsz, seq, hidden = x.shape
    x2d = x.reshape(T, H)
    cidx, wvals, meta, laux, counts = _gating(x2d, gate_w, gate_b)
    _PROBE = 2
    if _PROBE == 1:
        out2d = jnp.zeros((T, H), jnp.float32) + cidx[0, 0] + wvals[0, 0]
        return out2d.reshape(bsz, seq, hidden), laux[0, 0], counts.reshape(E)
    cidx3 = cidx.reshape(2, NW, TPT).transpose(1, 0, 2)
    wv3 = wvals.reshape(2, NW, TPT).transpose(1, 0, 2)
    xs = _dispatch(x2d, cidx3)
    if _PROBE == 2:
        out2d = xs[:T]
        return out2d.reshape(bsz, seq, hidden), laux[0, 0], counts.reshape(E)
    ffn_out = _gffn(meta[0], meta[1], meta[2], xs, W1, b1, W2, b2)
    out2d = _combine(ffn_out, cidx3, wv3)
    return out2d.reshape(bsz, seq, hidden), laux[0, 0], counts.reshape(E)

# --- scband reference (transcript-rebuilt; emitter-appended) ---
"""Pipeline reference for scband-simple-mo-e-2860448219600 (READ-ONLY COPY).

The authoritative reference and input builder live on the scoring server;
editing this copy changes nothing except your own understanding.
"""

import jax, jax.numpy as jnp
import numpy as np

HIDDEN = 768
NUM_EXPERTS = 8
TOP_K = 2
BATCH = 1
SEQ = 2048


def setup_inputs(seed: int = 0) -> dict:
    key = jax.random.key(seed)
    ks = jax.random.split(key, 6)
    x = jax.random.normal(ks[0], (BATCH, SEQ, HIDDEN), dtype=jnp.float32)
    gate_w = jax.random.normal(ks[1], (NUM_EXPERTS, HIDDEN), dtype=jnp.float32) * 0.02
    gate_b = jnp.zeros((NUM_EXPERTS,), dtype=jnp.float32)
    W1 = jax.random.normal(ks[2], (NUM_EXPERTS, 4 * HIDDEN, HIDDEN), dtype=jnp.float32) * 0.02
    b1 = jnp.zeros((NUM_EXPERTS, 4 * HIDDEN), dtype=jnp.float32)
    W2 = jax.random.normal(ks[3], (NUM_EXPERTS, HIDDEN, 4 * HIDDEN), dtype=jnp.float32) * 0.02
    b2 = jnp.zeros((NUM_EXPERTS, HIDDEN), dtype=jnp.float32)
    return {"x": x, "gate_w": gate_w, "gate_b": gate_b, "W1": W1, "b1": b1, "W2": W2, "b2": b2}


def reference(x, gate_w, gate_b, W1, b1, W2, b2):
    bsz, seq_len, hidden = x.shape
    flat = x.reshape(-1, hidden)
    gate_logits = flat @ gate_w.T + gate_b
    topk_vals, topk_idx = jax.lax.top_k(gate_logits, TOP_K)
    topk_weights = jax.nn.softmax(topk_vals, axis=-1)
    out_flat = jnp.zeros_like(flat)
    counts = []
    for e in range(NUM_EXPERTS):
        mask = (topk_idx == e).astype(flat.dtype)
        w_tok = jnp.sum(topk_weights * mask, axis=-1)
        h1 = jax.nn.gelu(flat @ W1[e].T + b1[e], approximate=False)
        eo = h1 @ W2[e].T + b2[e]
        out_flat = out_flat + eo * w_tok[:, None]
        counts.append(jnp.sum(mask))
    out = out_flat.reshape(bsz, seq_len, hidden)
    probs = jax.nn.softmax(gate_logits, axis=-1).mean(axis=0)
    l_aux = jnp.sum(probs * probs) * NUM_EXPERTS
    expert_counts = jnp.stack(counts).astype(jnp.float32)
    return out, l_aux, expert_counts

if __name__ == "__main__":
    import jax
    _d = setup_inputs()
    print(jax.jit(kernel)(*tuple(_d.values())))

</pallas_src>

<mosaic_0001>
#map = affine_map<(d0, d1) -> (0, 0)>
#map1 = affine_map<(d0, d1) -> (0, 0, 0)>
module attributes {stable_mosaic.version = 14 : i64} {
  func.func @_dispatch(%arg0: i32, %arg1: i32, %arg2: memref<2048x768xf32, #tpu.memory_space<hbm>>, %arg3: memref<32x2x64xi32, #tpu.memory_space<hbm>>, %arg4: memref<6144x768xf32, #tpu.memory_space<hbm>>, %arg5: memref<64xi32, #tpu.memory_space<vmem>>, %arg6: memref<64xi32, #tpu.memory_space<vmem>>, %arg7: memref<64x768xf32, #tpu.memory_space<vmem>>, %arg8: memref<!tpu.dma_semaphore, #tpu.memory_space<semaphore_mem>>, %arg9: memref<!tpu.dma_semaphore, #tpu.memory_space<semaphore_mem>>) attributes {dimension_semantics = [#tpu.dimension_semantics<core_parallel>, #tpu.dimension_semantics<subcore_parallel>], iteration_bounds = array<i64: 2, 16>, scalar_prefetch = 0 : i64, scratch_operands = 5 : i64, tpu.core_type = #tpu.core_type<sc_vector_subcore>, window_params = [{transform_indices = #map}, {transform_indices = #map1}, {transform_indices = #map}]} {
    %mul3A = arith.constant 2 : i32
    %mul3A_0 = arith.muli %arg1, %mul3A : i32
    %add3A = arith.addi %mul3A_0, %arg0 : i32
    %mul3A_1 = arith.constant 64 : i32
    %mul3A_2 = arith.muli %add3A, %mul3A_1 : i32
    %run_scoped3A = arith.constant 0 : i32
    "tpu.region"() ({
      %run_scoped3A_14 = tpu.sem_alloc : memref<!tpu.dma_semaphore, #tpu.memory_space<semaphore_mem>>
      %dma_start3A_15 = arith.constant 0 : i32
      %dma_start3A_16 = tpu.memref_slice %arg3[%add3A, %run_scoped3A, %dma_start3A_15] : memref<32x2x64xi32, #tpu.memory_space<hbm>> -> memref<1x1x64xi32, #tpu.memory_space<hbm>>
      %dma_start3A_17 = tpu.memref_squeeze %dma_start3A_16 : memref<1x1x64xi32, #tpu.memory_space<hbm>> -> memref<64xi32, #tpu.memory_space<hbm>>
      %dma_start3A_18 = arith.constant 0 : i32
      %dma_start3A_19 = tpu.memref_slice %arg3[%add3A, %run_scoped3A, %dma_start3A_18] : memref<32x2x64xi32, #tpu.memory_space<hbm>> -> memref<1x1x64xi32, #tpu.memory_space<hbm>>
      %dma_start3A_20 = tpu.memref_squeeze %dma_start3A_19 : memref<1x1x64xi32, #tpu.memory_space<hbm>> -> memref<64xi32, #tpu.memory_space<hbm>>
      tpu.enqueue_dma source(%dma_start3A_20 : memref<64xi32, #tpu.memory_space<hbm>>) target(%arg5 : memref<64xi32, #tpu.memory_space<vmem>>) target_semaphore(%run_scoped3A_14 : memref<!tpu.dma_semaphore, #tpu.memory_space<semaphore_mem>>)
      %dma_wait3A_21 = arith.constant 0 : i32
      %dma_wait3A_22 = tpu.memref_slice %arg3[%add3A, %run_scoped3A, %dma_wait3A_21] : memref<32x2x64xi32, #tpu.memory_space<hbm>> -> memref<1x1x64xi32, #tpu.memory_space<hbm>>
      %dma_wait3A_23 = tpu.memref_squeeze %dma_wait3A_22 : memref<1x1x64xi32, #tpu.memory_space<hbm>> -> memref<64xi32, #tpu.memory_space<hbm>>
      %dma_wait3A_24 = arith.constant 0 : i32
      %dma_wait3A_25 = tpu.memref_slice %arg3[%add3A, %run_scoped3A, %dma_wait3A_24] : memref<32x2x64xi32, #tpu.memory_space<hbm>> -> memref<1x1x64xi32, #tpu.memory_space<hbm>>
      %dma_wait3A_26 = tpu.memref_squeeze %dma_wait3A_25 : memref<1x1x64xi32, #tpu.memory_space<hbm>> -> memref<64xi32, #tpu.memory_space<hbm>>
      tpu.wait_dma2 semaphore(%run_scoped3A_14 : memref<!tpu.dma_semaphore, #tpu.memory_space<semaphore_mem>>) src(%dma_wait3A_26 : memref<64xi32, #tpu.memory_space<hbm>>) dst(%arg5 : memref<64xi32, #tpu.memory_space<vmem>>)
      tpu.yield
    }) : () -> ()
    %run_scoped3A_3 = arith.constant 1 : i32
    "tpu.region"() ({
      %run_scoped3A_14 = tpu.sem_alloc : memref<!tpu.dma_semaphore, #tpu.memory_space<semaphore_mem>>
      %dma_start3A_15 = arith.constant 0 : i32
      %dma_start3A_16 = tpu.memref_slice %arg3[%add3A, %run_scoped3A_3, %dma_start3A_15] : memref<32x2x64xi32, #tpu.memory_space<hbm>> -> memref<1x1x64xi32, #tpu.memory_space<hbm>>
      %dma_start3A_17 = tpu.memref_squeeze %dma_start3A_16 : memref<1x1x64xi32, #tpu.memory_space<hbm>> -> memref<64xi32, #tpu.memory_space<hbm>>
      %dma_start3A_18 = arith.constant 0 : i32
      %dma_start3A_19 = tpu.memref_slice %arg3[%add3A, %run_scoped3A_3, %dma_start3A_18] : memref<32x2x64xi32, #tpu.memory_space<hbm>> -> memref<1x1x64xi32, #tpu.memory_space<hbm>>
      %dma_start3A_20 = tpu.memref_squeeze %dma_start3A_19 : memref<1x1x64xi32, #tpu.memory_space<hbm>> -> memref<64xi32, #tpu.memory_space<hbm>>
      tpu.enqueue_dma source(%dma_start3A_20 : memref<64xi32, #tpu.memory_space<hbm>>) target(%arg6 : memref<64xi32, #tpu.memory_space<vmem>>) target_semaphore(%run_scoped3A_14 : memref<!tpu.dma_semaphore, #tpu.memory_space<semaphore_mem>>)
      %dma_wait3A_21 = arith.constant 0 : i32
      %dma_wait3A_22 = tpu.memref_slice %arg3[%add3A, %run_scoped3A_3, %dma_wait3A_21] : memref<32x2x64xi32, #tpu.memory_space<hbm>> -> memref<1x1x64xi32, #tpu.memory_space<hbm>>
      %dma_wait3A_23 = tpu.memref_squeeze %dma_wait3A_22 : memref<1x1x64xi32, #tpu.memory_space<hbm>> -> memref<64xi32, #tpu.memory_space<hbm>>
      %dma_wait3A_24 = arith.constant 0 : i32
      %dma_wait3A_25 = tpu.memref_slice %arg3[%add3A, %run_scoped3A_3, %dma_wait3A_24] : memref<32x2x64xi32, #tpu.memory_space<hbm>> -> memref<1x1x64xi32, #tpu.memory_space<hbm>>
      %dma_wait3A_26 = tpu.memref_squeeze %dma_wait3A_25 : memref<1x1x64xi32, #tpu.memory_space<hbm>> -> memref<64xi32, #tpu.memory_space<hbm>>
      tpu.wait_dma2 semaphore(%run_scoped3A_14 : memref<!tpu.dma_semaphore, #tpu.memory_space<semaphore_mem>>) src(%dma_wait3A_26 : memref<64xi32, #tpu.memory_space<hbm>>) dst(%arg6 : memref<64xi32, #tpu.memory_space<vmem>>)
      tpu.yield
    }) : () -> ()
    "tpu.region"() ({
      %run_scoped3A_14 = tpu.sem_alloc : memref<!tpu.dma_semaphore, #tpu.memory_space<semaphore_mem>>
      %dma_start3A_15 = arith.constant 0 : i32
      %dma_start3A_16 = tpu.memref_slice %arg2[%mul3A_2, %dma_start3A_15] : memref<2048x768xf32, #tpu.memory_space<hbm>> -> memref<64x768xf32, #tpu.memory_space<hbm>>
      %dma_start3A_17 = arith.constant 0 : i32
      %dma_start3A_18 = tpu.memref_slice %arg2[%mul3A_2, %dma_start3A_17] : memref<2048x768xf32, #tpu.memory_space<hbm>> -> memref<64x768xf32, #tpu.memory_space<hbm>>
      tpu.enqueue_dma source(%dma_start3A_18 : memref<64x768xf32, #tpu.memory_space<hbm>>) target(%arg7 : memref<64x768xf32, #tpu.memory_space<vmem>>) target_semaphore(%run_scoped3A_14 : memref<!tpu.dma_semaphore, #tpu.memory_space<semaphore_mem>>)
      %dma_wait3A_19 = arith.constant 0 : i32
      %dma_wait3A_20 = tpu.memref_slice %arg2[%mul3A_2, %dma_wait3A_19] : memref<2048x768xf32, #tpu.memory_space<hbm>> -> memref<64x768xf32, #tpu.memory_space<hbm>>
      %dma_wait3A_21 = arith.constant 0 : i32
      %dma_wait3A_22 = tpu.memref_slice %arg2[%mul3A_2, %dma_wait3A_21] : memref<2048x768xf32, #tpu.memory_space<hbm>> -> memref<64x768xf32, #tpu.memory_space<hbm>>
      tpu.wait_dma2 semaphore(%run_scoped3A_14 : memref<!tpu.dma_semaphore, #tpu.memory_space<semaphore_mem>>) src(%dma_wait3A_22 : memref<64x768xf32, #tpu.memory_space<hbm>>) dst(%arg7 : memref<64x768xf32, #tpu.memory_space<vmem>>)
      tpu.yield
    }) : () -> ()
    %dma_start3A = arith.constant 0 : i32
    %dma_start3A_4 = arith.constant 0 : i32
    %dma_start3A_5 = tpu.memref_slice %arg4[%dma_start3A, %dma_start3A_4] : memref<6144x768xf32, #tpu.memory_space<hbm>> -> memref<6144x768xf32, #tpu.memory_space<hbm>>
    tpu.enqueue_indirect_dma source(%arg7 : memref<64x768xf32, #tpu.memory_space<vmem>>) target(%dma_start3A_5 : memref<6144x768xf32, #tpu.memory_space<hbm>>) offsets(%arg5 : memref<64xi32, #tpu.memory_space<vmem>>) semaphore(%arg8 : memref<!tpu.dma_semaphore, #tpu.memory_space<semaphore_mem>>)
    %dma_start3A_6 = arith.constant 0 : i32
    %dma_start3A_7 = arith.constant 0 : i32
    %dma_start3A_8 = tpu.memref_slice %arg4[%dma_start3A_6, %dma_start3A_7] : memref<6144x768xf32, #tpu.memory_space<hbm>> -> memref<6144x768xf32, #tpu.memory_space<hbm>>
    tpu.enqueue_indirect_dma source(%arg7 : memref<64x768xf32, #tpu.memory_space<vmem>>) target(%dma_start3A_8 : memref<6144x768xf32, #tpu.memory_space<hbm>>) offsets(%arg6 : memref<64xi32, #tpu.memory_space<vmem>>) semaphore(%arg9 : memref<!tpu.dma_semaphore, #tpu.memory_space<semaphore_mem>>)
    %dma_wait3A = arith.constant 0 : i32
    %dma_wait3A_9 = arith.constant 0 : i32
    %dma_wait3A_10 = tpu.memref_slice %arg4[%dma_wait3A, %dma_wait3A_9] : memref<6144x768xf32, #tpu.memory_space<hbm>> -> memref<6144x768xf32, #tpu.memory_space<hbm>>
    tpu.wait_indirect_dma semaphore(%arg8 : memref<!tpu.dma_semaphore, #tpu.memory_space<semaphore_mem>>) src(%arg7 : memref<64x768xf32, #tpu.memory_space<vmem>>) dst(%dma_wait3A_10 : memref<6144x768xf32, #tpu.memory_space<hbm>>)
    %dma_wait3A_11 = arith.constant 0 : i32
    %dma_wait3A_12 = arith.constant 0 : i32
    %dma_wait3A_13 = tpu.memref_slice %arg4[%dma_wait3A_11, %dma_wait3A_12] : memref<6144x768xf32, #tpu.memory_space<hbm>> -> memref<6144x768xf32, #tpu.memory_space<hbm>>
    tpu.wait_indirect_dma semaphore(%arg9 : memref<!tpu.dma_semaphore, #tpu.memory_space<semaphore_mem>>) src(%arg7 : memref<64x768xf32, #tpu.memory_space<vmem>>) dst(%dma_wait3A_13 : memref<6144x768xf32, #tpu.memory_space<hbm>>)
    return
  }
}

module attributes {stable_mosaic.version = 14 : i64} {
  func.func @_gating_body(%arg0: memref<2048x768xf32, #tpu.memory_space<vmem>>, %arg1: memref<8x768xf32, #tpu.memory_space<vmem>>, %arg2: memref<8x1xf32, #tpu.memory_space<vmem>>, %arg3: memref<2x2048xi32, #tpu.memory_space<vmem>>, %arg4: memref<2x2048xf32, #tpu.memory_space<vmem>>, %arg5: memref<3x24xi32, #tpu.memory_space<vmem>>, %arg6: memref<1x1xf32, #tpu.memory_space<smem>>, %arg7: memref<8x1xf32, #tpu.memory_space<vmem>>) attributes {dimension_semantics = [], scalar_prefetch = 0 : i64, scratch_operands = 0 : i64, tpu.core_type = #tpu.core_type<tc>} {
    %get3A = arith.constant 0 : index
    %get3A_0 = arith.constant 0 : index
    %get3A_1 = vector.load %arg0[%get3A, %get3A_0] : memref<2048x768xf32, #tpu.memory_space<vmem>>, vector<2048x768xf32>
    %get3A_2 = arith.constant 0 : index
    %get3A_3 = arith.constant 0 : index
    %get3A_4 = vector.load %arg1[%get3A_2, %get3A_3] : memref<8x768xf32, #tpu.memory_space<vmem>>, vector<8x768xf32>
    %get3A_5 = arith.constant 0 : index
    %get3A_6 = arith.constant 0 : index
    %get3A_7 = vector.load %arg2[%get3A_5, %get3A_6] : memref<8x1xf32, #tpu.memory_space<vmem>>, vector<8x1xf32>
    %dot_general3A = arith.constant dense<0.000000e+00> : vector<8x2048xf32>
    %dot_general3A_8 = tpu.matmul %get3A_4, %get3A_1, %dot_general3A {dimension_numbers = #tpu.dot_dimension_numbers<[1], [1], [0], [0], [0, 0, 1, 0], [], []>, transpose_lhs_hint = false} : vector<8x768xf32>, vector<2048x768xf32>, vector<8x2048xf32> -> vector<8x2048xf32>
    %add3A = vector.broadcast %get3A_7 : vector<8x1xf32> to vector<8x2048xf32>
    %add3A_9 = arith.addf %dot_general3A_8, %add3A : vector<8x2048xf32>
    %iota3A = tpu.iota {dimensions = array<i32: 0>} : vector<8x2048xi32>
    %reduce_max3A = arith.constant dense<0xFF800000> : vector<2048xf32>
    %reduce_max3A_10 = vector.multi_reduction <maximumf>, %add3A_9, %reduce_max3A [0] : vector<8x2048xf32> to vector<2048xf32>
    %broadcast_in_dim3A = vector.shape_cast %reduce_max3A_10 : vector<2048xf32> to vector<1x2048xf32>
    %eq3A = vector.broadcast %broadcast_in_dim3A : vector<1x2048xf32> to vector<8x2048xf32>
    %eq3A_11 = arith.cmpf oeq, %add3A_9, %eq3A : vector<8x2048xf32>
    %jit3A = arith.constant 8 : i32
    %broadcast_in_dim3A_12 = vector.broadcast %jit3A : i32 to vector<8x2048xi32>
    %select_n3A = arith.select %eq3A_11, %iota3A, %broadcast_in_dim3A_12 : vector<8x2048xi1>, vector<8x2048xi32>
    %reduce_min3A = arith.constant dense<2147483647> : vector<2048xi32>
    %reduce_min3A_13 = vector.multi_reduction <minsi>, %select_n3A, %reduce_min3A [0] : vector<8x2048xi32> to vector<2048xi32>
    %broadcast_in_dim3A_14 = vector.shape_cast %reduce_min3A_13 : vector<2048xi32> to vector<1x2048xi32>
    %eq3A_15 = vector.broadcast %broadcast_in_dim3A_14 : vector<1x2048xi32> to vector<8x2048xi32>
    %eq3A_16 = arith.cmpi eq, %iota3A, %eq3A_15 : vector<8x2048xi32>
    %jit3A_17 = arith.constant -1.000000e+30 : f32
    %broadcast_in_dim3A_18 = vector.broadcast %jit3A_17 : f32 to vector<8x2048xf32>
    %select_n3A_19 = arith.select %eq3A_16, %broadcast_in_dim3A_18, %add3A_9 : vector<8x2048xi1>, vector<8x2048xf32>
    %reduce_max3A_20 = arith.constant dense<0xFF800000> : vector<2048xf32>
    %reduce_max3A_21 = vector.multi_reduction <maximumf>, %select_n3A_19, %reduce_max3A_20 [0] : vector<8x2048xf32> to vector<2048xf32>
    %broadcast_in_dim3A_22 = vector.shape_cast %reduce_max3A_21 : vector<2048xf32> to vector<1x2048xf32>
    %eq3A_23 = vector.broadcast %broadcast_in_dim3A_22 : vector<1x2048xf32> to vector<8x2048xf32>
    %eq3A_24 = arith.cmpf oeq, %select_n3A_19, %eq3A_23 : vector<8x2048xf32>
    %jit3A_25 = arith.constant 8 : i32
    %broadcast_in_dim3A_26 = vector.broadcast %jit3A_25 : i32 to vector<8x2048xi32>
    %select_n3A_27 = arith.select %eq3A_24, %iota3A, %broadcast_in_dim3A_26 : vector<8x2048xi1>, vector<8x2048xi32>
    %reduce_min3A_28 = arith.constant dense<2147483647> : vector<2048xi32>
    %reduce_min3A_29 = vector.multi_reduction <minsi>, %select_n3A_27, %reduce_min3A_28 [0] : vector<8x2048xi32> to vector<2048xi32>
    %broadcast_in_dim3A_30 = vector.shape_cast %reduce_min3A_29 : vector<2048xi32> to vector<1x2048xi32>
    %eq3A_31 = vector.broadcast %broadcast_in_dim3A_30 : vector<1x2048xi32> to vector<8x2048xi32>
    %eq3A_32 = arith.cmpi eq, %iota3A, %eq3A_31 : vector<8x2048xi32>
    %sub3A = arith.subf %broadcast_in_dim3A_22, %broadcast_in_dim3A : vector<1x2048xf32>
    %exp3A = math.exp %sub3A : vector<1x2048xf32>
    %add3A_33 = arith.constant 1.000000e+00 : f32
    %add3A_34 = vector.broadcast %add3A_33 : f32 to vector<1x2048xf32>
    %add3A_35 = arith.addf %add3A_34, %exp3A : vector<1x2048xf32>
    %div3A = arith.constant 1.000000e+00 : f32
    %div3A_36 = vector.broadcast %div3A : f32 to vector<1x2048xf32>
    %div3A_37 = arith.divf %div3A_36, %add3A_35 : vector<1x2048xf32>
    %sub3A_38 = arith.constant 1.000000e+00 : f32
    %sub3A_39 = vector.broadcast %sub3A_38 : f32 to vector<1x2048xf32>
    %sub3A_40 = arith.subf %sub3A_39, %div3A_37 : vector<1x2048xf32>
    %concatenate3A = tpu.concatenate %div3A_37, %sub3A_40 in 0 : vector<1x2048xf32>, vector<1x2048xf32> -> vector<2x2048xf32>
    %swap3A = arith.constant 0 : index
    %swap3A_41 = arith.constant 0 : index
    %swap3A_42 = vector.load %arg4[%swap3A, %swap3A_41] : memref<2x2048xf32, #tpu.memory_space<vmem>>, vector<2x2048xf32>
    tpu.vector_store %arg4[%swap3A, %swap3A_41], %concatenate3A {strides = array<i32>} : memref<2x2048xf32, #tpu.memory_space<vmem>>, vector<2x2048xf32>,
    %sub3A_43 = vector.broadcast %broadcast_in_dim3A : vector<1x2048xf32> to vector<8x2048xf32>
    %sub3A_44 = arith.subf %add3A_9, %sub3A_43 : vector<8x2048xf32>
    %exp3A_45 = math.exp %sub3A_44 : vector<8x2048xf32>
    %reduce_sum3A = arith.constant dense<0.000000e+00> : vector<2048xf32>
    %reduce_sum3A_46 = vector.multi_reduction <add>, %exp3A_45, %reduce_sum3A [0] : vector<8x2048xf32> to vector<2048xf32>
    %broadcast_in_dim3A_47 = vector.shape_cast %reduce_sum3A_46 : vector<2048xf32> to vector<1x2048xf32>
    %div3A_48 = vector.broadcast %broadcast_in_dim3A_47 : vector<1x2048xf32> to vector<8x2048xf32>
    %div3A_49 = arith.divf %exp3A_45, %div3A_48 : vector<8x2048xf32>
    %reduce_sum3A_50 = arith.constant dense<0.000000e+00> : vector<8xf32>
    %reduce_sum3A_51 = vector.multi_reduction <add>, %div3A_49, %reduce_sum3A_50 [1] : vector<8x2048xf32> to vector<8xf32>
    %broadcast_in_dim3A_52 = vector.shape_cast %reduce_sum3A_51 : vector<8xf32> to vector<8x1xf32>
    %div3A_53 = arith.constant 2.048000e+03 : f32
    %div3A_54 = vector.broadcast %div3A_53 : f32 to vector<8x1xf32>
    %div3A_55 = arith.divf %broadcast_in_dim3A_52, %div3A_54 : vector<8x1xf32>
    %mul3A = arith.mulf %div3A_55, %div3A_55 : vector<8x1xf32>
    %reduce_sum3A_56 = vector.shape_cast %mul3A : vector<8x1xf32> to vector<1x8x1xf32>
    %reduce_sum3A_57 = arith.constant dense<0.000000e+00> : vector<1xf32>
    %reduce_sum3A_58 = vector.multi_reduction <add>, %reduce_sum3A_56, %reduce_sum3A_57 [1, 2] : vector<1x8x1xf32> to vector<1xf32>
    %reduce_sum3A_59 = vector.shape_cast %reduce_sum3A_58 : vector<1xf32> to vector<1x1x1xf32>
    %reduce_sum3A_60 = vector.extract %reduce_sum3A_59[0, 0, 0] : f32 from vector<1x1x1xf32>
    %mul3A_61 = arith.constant 8.000000e+00 : f32
    %mul3A_62 = arith.mulf %reduce_sum3A_60, %mul3A_61 : f32
    %swap3A_63 = arith.constant 0 : index
    %swap3A_64 = arith.constant 0 : index
    %swap3A_65 = memref.load %arg6[%swap3A_63, %swap3A_64] : memref<1x1xf32, #tpu.memory_space<smem>>
    memref.store %mul3A_62, %arg6[%swap3A_63, %swap3A_64] : memref<1x1xf32, #tpu.memory_space<smem>>
    %or3A = arith.ori %eq3A_16, %eq3A_32 : vector<8x2048xi1>
    %jit3A_66 = arith.constant 1.000000e+00 : f32
    %jit3A_67 = arith.constant 0.000000e+00 : f32
    %broadcast_in_dim3A_68 = vector.broadcast %jit3A_66 : f32 to vector<8x2048xf32>
    %broadcast_in_dim3A_69 = vector.broadcast %jit3A_67 : f32 to vector<8x2048xf32>
    %select_n3A_70 = arith.select %or3A, %broadcast_in_dim3A_68, %broadcast_in_dim3A_69 : vector<8x2048xi1>, vector<8x2048xf32>
    %broadcast_in_dim3A_71 = arith.constant 0.000000e+00 : f32
    %broadcast_in_dim3A_72 = vector.broadcast %broadcast_in_dim3A_71 : f32 to vector<8x1xf32>
    %slice3A = vector.extract_strided_slice %select_n3A_70 {offsets = [0, 0], sizes = [8, 2047], strides = [1, 1]} : vector<8x2048xf32> to vector<8x2047xf32>
    %concatenate3A_73 = tpu.concatenate %broadcast_in_dim3A_72, %slice3A in 1 : vector<8x1xf32>, vector<8x2047xf32> -> vector<8x2048xf32>
    %add3A_74 = arith.addf %select_n3A_70, %concatenate3A_73 : vector<8x2048xf32>
    %broadcast_in_dim3A_75 = arith.constant 0.000000e+00 : f32
    %broadcast_in_dim3A_76 = vector.broadcast %broadcast_in_dim3A_75 : f32 to vector<8x2xf32>
    %slice3A_77 = vector.extract_strided_slice %add3A_74 {offsets = [0, 0], sizes = [8, 2046], strides = [1, 1]} : vector<8x2048xf32> to vector<8x2046xf32>
    %concatenate3A_78 = tpu.concatenate %broadcast_in_dim3A_76, %slice3A_77 in 1 : vector<8x2xf32>, vector<8x2046xf32> -> vector<8x2048xf32>
    %add3A_79 = arith.addf %add3A_74, %concatenate3A_78 : vector<8x2048xf32>
    %broadcast_in_dim3A_80 = arith.constant 0.000000e+00 : f32
    %broadcast_in_dim3A_81 = vector.broadcast %broadcast_in_dim3A_80 : f32 to vector<8x4xf32>
    %slice3A_82 = vector.extract_strided_slice %add3A_79 {offsets = [0, 0], sizes = [8, 2044], strides = [1, 1]} : vector<8x2048xf32> to vector<8x2044xf32>
    %concatenate3A_83 = tpu.concatenate %broadcast_in_dim3A_81, %slice3A_82 in 1 : vector<8x4xf32>, vector<8x2044xf32> -> vector<8x2048xf32>
    %add3A_84 = arith.addf %add3A_79, %concatenate3A_83 : vector<8x2048xf32>
    %broadcast_in_dim3A_85 = arith.constant 0.000000e+00 : f32
    %broadcast_in_dim3A_86 = vector.broadcast %broadcast_in_dim3A_85 : f32 to vector<8x8xf32>
    %slice3A_87 = vector.extract_strided_slice %add3A_84 {offsets = [0, 0], sizes = [8, 2040], strides = [1, 1]} : vector<8x2048xf32> to vector<8x2040xf32>
    %concatenate3A_88 = tpu.concatenate %broadcast_in_dim3A_86, %slice3A_87 in 1 : vector<8x8xf32>, vector<8x2040xf32> -> vector<8x2048xf32>
    %add3A_89 = arith.addf %add3A_84, %concatenate3A_88 : vector<8x2048xf32>
    %broadcast_in_dim3A_90 = arith.constant 0.000000e+00 : f32
    %broadcast_in_dim3A_91 = vector.broadcast %broadcast_in_dim3A_90 : f32 to vector<8x16xf32>
    %slice3A_92 = vector.extract_strided_slice %add3A_89 {offsets = [0, 0], sizes = [8, 2032], strides = [1, 1]} : vector<8x2048xf32> to vector<8x2032xf32>
    %concatenate3A_93 = tpu.concatenate %broadcast_in_dim3A_91, %slice3A_92 in 1 : vector<8x16xf32>, vector<8x2032xf32> -> vector<8x2048xf32>
    %add3A_94 = arith.addf %add3A_89, %concatenate3A_93 : vector<8x2048xf32>
    %broadcast_in_dim3A_95 = arith.constant 0.000000e+00 : f32
    %broadcast_in_dim3A_96 = vector.broadcast %broadcast_in_dim3A_95 : f32 to vector<8x32xf32>
    %slice3A_97 = vector.extract_strided_slice %add3A_94 {offsets = [0, 0], sizes = [8, 2016], strides = [1, 1]} : vector<8x2048xf32> to vector<8x2016xf32>
    %concatenate3A_98 = tpu.concatenate %broadcast_in_dim3A_96, %slice3A_97 in 1 : vector<8x32xf32>, vector<8x2016xf32> -> vector<8x2048xf32>
    %add3A_99 = arith.addf %add3A_94, %concatenate3A_98 : vector<8x2048xf32>
    %broadcast_in_dim3A_100 = arith.constant 0.000000e+00 : f32
    %broadcast_in_dim3A_101 = vector.broadcast %broadcast_in_dim3A_100 : f32 to vector<8x64xf32>
    %slice3A_102 = vector.extract_strided_slice %add3A_99 {offsets = [0, 0], sizes = [8, 1984], strides = [1, 1]} : vector<8x2048xf32> to vector<8x1984xf32>
    %concatenate3A_103 = tpu.concatenate %broadcast_in_dim3A_101, %slice3A_102 in 1 : vector<8x64xf32>, vector<8x1984xf32> -> vector<8x2048xf32>
    %add3A_104 = arith.addf %add3A_99, %concatenate3A_103 : vector<8x2048xf32>
    %broadcast_in_dim3A_105 = arith.constant 0.000000e+00 : f32
    %broadcast_in_dim3A_106 = vector.broadcast %broadcast_in_dim3A_105 : f32 to vector<8x128xf32>
    %slice3A_107 = vector.extract_strided_slice %add3A_104 {offsets = [0, 0], sizes = [8, 1920], strides = [1, 1]} : vector<8x2048xf32> to vector<8x1920xf32>
    %concatenate3A_108 = tpu.concatenate %broadcast_in_dim3A_106, %slice3A_107 in 1 : vector<8x128xf32>, vector<8x1920xf32> -> vector<8x2048xf32>
    %add3A_109 = arith.addf %add3A_104, %concatenate3A_108 : vector<8x2048xf32>
    %broadcast_in_dim3A_110 = arith.constant 0.000000e+00 : f32
    %broadcast_in_dim3A_111 = vector.broadcast %broadcast_in_dim3A_110 : f32 to vector<8x256xf32>
    %slice3A_112 = vector.extract_strided_slice %add3A_109 {offsets = [0, 0], sizes = [8, 1792], strides = [1, 1]} : vector<8x2048xf32> to vector<8x1792xf32>
    %concatenate3A_113 = tpu.concatenate %broadcast_in_dim3A_111, %slice3A_112 in 1 : vector<8x256xf32>, vector<8x1792xf32> -> vector<8x2048xf32>
    %add3A_114 = arith.addf %add3A_109, %concatenate3A_113 : vector<8x2048xf32>
    %broadcast_in_dim3A_115 = arith.constant 0.000000e+00 : f32
    %broadcast_in_dim3A_116 = vector.broadcast %broadcast_in_dim3A_115 : f32 to vector<8x512xf32>
    %slice3A_117 = vector.extract_strided_slice %add3A_114 {offsets = [0, 0], sizes = [8, 1536], strides = [1, 1]} : vector<8x2048xf32> to vector<8x1536xf32>
    %concatenate3A_118 = tpu.concatenate %broadcast_in_dim3A_116, %slice3A_117 in 1 : vector<8x512xf32>, vector<8x1536xf32> -> vector<8x2048xf32>
    %add3A_119 = arith.addf %add3A_114, %concatenate3A_118 : vector<8x2048xf32>
    %broadcast_in_dim3A_120 = arith.constant 0.000000e+00 : f32
    %broadcast_in_dim3A_121 = vector.broadcast %broadcast_in_dim3A_120 : f32 to vector<8x1024xf32>
    %slice3A_122 = vector.extract_strided_slice %add3A_119 {offsets = [0, 0], sizes = [8, 1024], strides = [1, 1]} : vector<8x2048xf32> to vector<8x1024xf32>
    %concatenate3A_123 = tpu.concatenate %broadcast_in_dim3A_121, %slice3A_122 in 1 : vector<8x1024xf32>, vector<8x1024xf32> -> vector<8x2048xf32>
    %add3A_124 = arith.addf %add3A_119, %concatenate3A_123 : vector<8x2048xf32>
    %sub3A_125 = arith.subf %add3A_124, %select_n3A_70 : vector<8x2048xf32>
    %reduce_sum3A_126 = arith.constant dense<0.000000e+00> : vector<8xf32>
    %reduce_sum3A_127 = vector.multi_reduction <add>, %select_n3A_70, %reduce_sum3A_126 [1] : vector<8x2048xf32> to vector<8xf32>
    %broadcast_in_dim3A_128 = vector.shape_cast %reduce_sum3A_127 : vector<8xf32> to vector<8x1xf32>
    %swap3A_129 = arith.constant 0 : index
    %swap3A_130 = arith.constant 0 : index
    %swap3A_131 = vector.load %arg7[%swap3A_129, %swap3A_130] : memref<8x1xf32, #tpu.memory_space<vmem>>, vector<8x1xf32>
    tpu.vector_store %arg7[%swap3A_129, %swap3A_130], %broadcast_in_dim3A_128 {strides = array<i32>} : memref<8x1xf32, #tpu.memory_space<vmem>>, vector<8x1xf32>,
    %convert_element_type3A = arith.fptosi %broadcast_in_dim3A_128 : vector<8x1xf32> to vector<8x1xi32>
    %add3A_132 = arith.constant 255 : i32
    %add3A_133 = vector.broadcast %add3A_132 : i32 to vector<8x1xi32>
    %add3A_134 = arith.addi %convert_element_type3A, %add3A_133 : vector<8x1xi32>
    %shift_right_arithmetic3A = arith.constant 8 : i32
    %shift_right_arithmetic3A_135 = vector.broadcast %shift_right_arithmetic3A : i32 to vector<8x1xi32>
    %shift_right_arithmetic3A_136 = arith.shrsi %add3A_134, %shift_right_arithmetic3A_135 : vector<8x1xi32>
    %shift_left3A = arith.constant 8 : i32
    %shift_left3A_137 = vector.broadcast %shift_left3A : i32 to vector<8x1xi32>
    %shift_left3A_138 = arith.shli %shift_right_arithmetic3A_136, %shift_left3A_137 : vector<8x1xi32>
    %broadcast_in_dim3A_139 = arith.constant 0 : i32
    %broadcast_in_dim3A_140 = vector.broadcast %broadcast_in_dim3A_139 : i32 to vector<1x1xi32>
    %slice3A_141 = vector.extract_strided_slice %shift_left3A_138 {offsets = [0, 0], sizes = [7, 1], strides = [1, 1]} : vector<8x1xi32> to vector<7x1xi32>
    %concatenate3A_142 = tpu.concatenate %broadcast_in_dim3A_140, %slice3A_141 in 0 : vector<1x1xi32>, vector<7x1xi32> -> vector<8x1xi32>
    %add3A_143 = arith.addi %shift_left3A_138, %concatenate3A_142 : vector<8x1xi32>
    %broadcast_in_dim3A_144 = arith.constant 0 : i32
    %broadcast_in_dim3A_145 = vector.broadcast %broadcast_in_dim3A_144 : i32 to vector<2x1xi32>
    %slice3A_146 = vector.extract_strided_slice %add3A_143 {offsets = [0, 0], sizes = [6, 1], strides = [1, 1]} : vector<8x1xi32> to vector<6x1xi32>
    %concatenate3A_147 = tpu.concatenate %broadcast_in_dim3A_145, %slice3A_146 in 0 : vector<2x1xi32>, vector<6x1xi32> -> vector<8x1xi32>
    %add3A_148 = arith.addi %add3A_143, %concatenate3A_147 : vector<8x1xi32>
    %broadcast_in_dim3A_149 = arith.constant 0 : i32
    %broadcast_in_dim3A_150 = vector.broadcast %broadcast_in_dim3A_149 : i32 to vector<4x1xi32>
    %slice3A_151 = vector.extract_strided_slice %add3A_148 {offsets = [0, 0], sizes = [4, 1], strides = [1, 1]} : vector<8x1xi32> to vector<4x1xi32>
    %concatenate3A_152 = tpu.concatenate %broadcast_in_dim3A_150, %slice3A_151 in 0 : vector<4x1xi32>, vector<4x1xi32> -> vector<8x1xi32>
    %add3A_153 = arith.addi %add3A_148, %concatenate3A_152 : vector<8x1xi32>
    %sub3A_154 = arith.subi %add3A_153, %shift_left3A_138 : vector<8x1xi32>
    %reduce_sum3A_155 = arith.constant dense<0> : vector<1xi32>
    %reduce_sum3A_156 = vector.multi_reduction <add>, %shift_left3A_138, %reduce_sum3A_155 [0] : vector<8x1xi32> to vector<1xi32>
    %broadcast_in_dim3A_157 = vector.shape_cast %reduce_sum3A_156 : vector<1xi32> to vector<1x1xi32>
    %shift_right_arithmetic3A_158 = arith.constant 8 : i32
    %shift_right_arithmetic3A_159 = vector.broadcast %shift_right_arithmetic3A_158 : i32 to vector<1x1xi32>
    %shift_right_arithmetic3A_160 = arith.shrsi %broadcast_in_dim3A_157, %shift_right_arithmetic3A_159 : vector<1x1xi32>
    %convert_element_type3A_161 = arith.sitofp %sub3A_154 : vector<8x1xi32> to vector<8x1xf32>
    %add3A_162 = vector.broadcast %convert_element_type3A_161 : vector<8x1xf32> to vector<8x2048xf32>
    %add3A_163 = arith.addf %add3A_162, %sub3A_125 : vector<8x2048xf32>
    %jit3A_164 = arith.constant 0.000000e+00 : f32
    %broadcast_in_dim3A_165 = vector.broadcast %jit3A_164 : f32 to vector<8x2048xf32>
    %select_n3A_166 = arith.select %eq3A_16, %add3A_163, %broadcast_in_dim3A_165 : vector<8x2048xi1>, vector<8x2048xf32>
    %reduce_sum3A_167 = arith.constant dense<0.000000e+00> : vector<2048xf32>
    %reduce_sum3A_168 = vector.multi_reduction <add>, %select_n3A_166, %reduce_sum3A_167 [0] : vector<8x2048xf32> to vector<2048xf32>
    %broadcast_in_dim3A_169 = vector.shape_cast %reduce_sum3A_168 : vector<2048xf32> to vector<1x2048xf32>
    %jit3A_170 = arith.constant 0.000000e+00 : f32
    %broadcast_in_dim3A_171 = vector.broadcast %jit3A_170 : f32 to vector<8x2048xf32>
    %select_n3A_172 = arith.select %eq3A_32, %add3A_163, %broadcast_in_dim3A_171 : vector<8x2048xi1>, vector<8x2048xf32>
    %reduce_sum3A_173 = arith.constant dense<0.000000e+00> : vector<2048xf32>
    %reduce_sum3A_174 = vector.multi_reduction <add>, %select_n3A_172, %reduce_sum3A_173 [0] : vector<8x2048xf32> to vector<2048xf32>
    %broadcast_in_dim3A_175 = vector.shape_cast %reduce_sum3A_174 : vector<2048xf32> to vector<1x2048xf32>
    %concatenate3A_176 = tpu.concatenate %broadcast_in_dim3A_169, %broadcast_in_dim3A_175 in 0 : vector<1x2048xf32>, vector<1x2048xf32> -> vector<2x2048xf32>
    %convert_element_type3A_177 = arith.fptosi %concatenate3A_176 : vector<2x2048xf32> to vector<2x2048xi32>
    %swap3A_178 = arith.constant 0 : index
    %swap3A_179 = arith.constant 0 : index
    %swap3A_180 = vector.load %arg3[%swap3A_178, %swap3A_179] : memref<2x2048xi32, #tpu.memory_space<vmem>>, vector<2x2048xi32>
    tpu.vector_store %arg3[%swap3A_178, %swap3A_179], %convert_element_type3A_177 {strides = array<i32>} : memref<2x2048xi32, #tpu.memory_space<vmem>>, vector<2x2048xi32>,
    %iota3A_181 = tpu.iota {dimensions = array<i32: 1>} : vector<1x24xi32>
    %sub3A_182 = arith.constant 1 : i32
    %sub3A_183 = vector.broadcast %sub3A_182 : i32 to vector<1x1xi32>
    %sub3A_184 = arith.subi %shift_right_arithmetic3A_160, %sub3A_183 : vector<1x1xi32>
    %min3A = vector.broadcast %sub3A_184 : vector<1x1xi32> to vector<1x24xi32>
    %min3A_185 = arith.minsi %iota3A_181, %min3A : vector<1x24xi32>
    %mul3A_186 = arith.constant 256 : i32
    %mul3A_187 = vector.broadcast %mul3A_186 : i32 to vector<1x24xi32>
    %mul3A_188 = arith.muli %min3A_185, %mul3A_187 : vector<1x24xi32>
    %ge3A = vector.broadcast %mul3A_188 : vector<1x24xi32> to vector<8x24xi32>
    %ge3A_189 = vector.broadcast %sub3A_154 : vector<8x1xi32> to vector<8x24xi32>
    %ge3A_190 = arith.cmpi sge, %ge3A, %ge3A_189 : vector<8x24xi32>
    %convert_element_type3A_191 = arith.extui %ge3A_190 : vector<8x24xi1> to vector<8x24xi32>
    %reduce_sum3A_192 = arith.constant dense<0> : vector<24xi32>
    %reduce_sum3A_193 = vector.multi_reduction <add>, %convert_element_type3A_191, %reduce_sum3A_192 [0] : vector<8x24xi32> to vector<24xi32>
    %broadcast_in_dim3A_194 = vector.shape_cast %reduce_sum3A_193 : vector<24xi32> to vector<1x24xi32>
    %sub3A_195 = arith.constant 1 : i32
    %sub3A_196 = vector.broadcast %sub3A_195 : i32 to vector<1x24xi32>
    %sub3A_197 = arith.subi %broadcast_in_dim3A_194, %sub3A_196 : vector<1x24xi32>
    %broadcast_in_dim3A_198 = arith.constant 0 : i32
    %broadcast_in_dim3A_199 = vector.broadcast %broadcast_in_dim3A_198 : i32 to vector<1x24xi32>
    %add3A_200 = vector.broadcast %shift_right_arithmetic3A_160 : vector<1x1xi32> to vector<1x24xi32>
    %add3A_201 = arith.addi %add3A_200, %broadcast_in_dim3A_199 : vector<1x24xi32>
    %concatenate3A_202 = tpu.concatenate %min3A_185, %sub3A_197, %add3A_201 in 0 : vector<1x24xi32>, vector<1x24xi32>, vector<1x24xi32> -> vector<3x24xi32>
    %swap3A_203 = arith.constant 0 : index
    %swap3A_204 = arith.constant 0 : index
    %swap3A_205 = vector.load %arg5[%swap3A_203, %swap3A_204] : memref<3x24xi32, #tpu.memory_space<vmem>>, vector<3x24xi32>
    tpu.vector_store %arg5[%swap3A_203, %swap3A_204], %concatenate3A_202 {strides = array<i32>} : memref<3x24xi32, #tpu.memory_space<vmem>>, vector<3x24xi32>,
    return
  }
}

</mosaic_0001>

<sc_bundles>
// kernel: kernel.4.cloned.1.call-start
scs
__scs_entry_jumppad:
0x0: {  	(pc) =	sbr.rel $0x88, $3  }
0x1: {  	(tag) =	ssettag $0x0;
	lr =	simm.s32 $0x1  }
0x2: {  	[smem:$0x3F9E] =	sst lr;
	_ =	strace $0xD0000000  }
0x3: {  	_ = 	snop  }
0x4: {  	_ = 	snop  }
0x5: {  	_ = 	snop  }
0x6: {  	_ = 	snop  }
0x7: {  	_ = 	snop  }
__scs_overlays_trampoline_lowered:
0x8: {  	[smem:$0x3FAD] =	sst s0  }
0x9: {  	[smem:$0x3FAE] =	sst s1  }
0xa: {  	[smem:$0x3FAF] =	sst s2  }
0xb: {  	[smem:$0x3FB0] =	sst s3  }
0xc: {  	[smem:$0x3FB1] =	sst s4  }
0xd: {  	[smem:$0x3FB2] =	sst s5  }
0xe: {  	[smem:$0x3FB3] =	sst s6  }
0xf: {  	[smem:$0x3FB4] =	sst s7  }
0x10: {  	[smem:$0x3FB5] =	sst s8  }
0x11: {  	[smem:$0x3FB6] =	sst s9;
	s0 =	simm.s32 @!p0 $0x0  }
0x12: {  	s1 =	sld [smem:$0x3F9C];
	s0 =	simm.s32 @p0 $0x1  }
0x13: {  	[smem:$0x3FB7] =	sst s0;
	s0 =	simm.s32 @!p1 $0x0  }
0x14: {  	s2 =	sld [smem:$0x3F9B];
	s0 =	simm.s32 @p1 $0x1  }
0x15: {  	[smem:$0x3FB8] =	sst s0;
	s0 =	simm.s32 @!p2 $0x0  }
0x16: {  	s3 =	sld [smem:$0x3FDB];
	s0 =	simm.s32 @p2 $0x1  }
0x17: {  	s4 =	simm.s32 $0x1BF5;
	[smem:$0x3FBA] =	sst s0  }
0x18: {  	s0 =	sld [smem:$0x3F9D];
	_ =	swait.ge [sflag:s4], $0x0  }
0x19: {  	s7 =	sld [smem:$0x3F9E]  }
0x1a: {  	s8 =	sadd.s32 $0xFFFFE003, lr  }
0x1b: {  	s9 =	sadd.s32 $0xFFFFFEF7, lr;
	s5 =	simm.s32 $0xFFFFFFFF;
	p2 =	slt.u32 s8, $0xFFFFF086  }
0x1c: {  	p1 =	slt.u32 s9, $0xF7A;
	s5 =	simm.s32 @!p2 $0x0  }
0x1d: {  	s5 =	simm.s32 @p1 $0x1;
	p0 =	seq.s32 s7, s2  }
0x1e: {  	s7 =	smul.u32 @!p0 $0xF7A, s2;
	p2 =	seq.s32 @!p0 s5, $0x0  }
0x1f: {  	s9 =	smul.u32 $0xF7A, s1;
	s8 =	simm.s32 @!p0 $0x1BF5;
	p2 =	por !p2, p0  }
0x20: {  	[sflag:s8] =	ssyncset.s32 @!p0 $0xFFFFF086;
	s6 =	sadd.s32 @!p0 s3, s7;
	s7 =	simm.s32 @!p0 $0x108  }
0x21: {  	s3 =	sadd.s32 s3, s9;
	s6 =	sadd.s32 @!p0 $0x88, s6;
	s7 =	simm.s32 @p2 $0x1082  }
0x22: {  	[simem:s7], [sflag:s8] =	dma.local @!p0 [hbm:s6], $0xF7A  }
0x23: {  	s9 =	sor.u32 $0xD0000000, s2;
	s6 =	simm.s32 $0x108;
	_ =	swait.ge @!p0 [sflag:s8], $0x0  }
0x24: {  	s3 =	sadd.s32 $0x88, s3;
	s6 =	simm.s32 @!p1 $0x1082;
	[sflag:s4] =	ssyncset.s32 $0xFFFFF086  }
0x25: {  	[simem:s6], [sflag:s4] =	dma.local [hbm:s3], $0xF7A  }
0x26: {  	[smem:$0x3F9E] =	sst s1;
	(tag) =	ssettag s2;
	_ =	strace s9  }
0x27: {  	s1 =	sld [smem:$0x3FAE]  }
0x28: {  	s2 =	sld [smem:$0x3FAF]  }
0x29: {  	s4 =	sld [smem:$0x3FB1]  }
0x2a: {  	p0 =	seq.s32 s5, $0x0;
	s5 =	sld [smem:$0x3FB2]  }
0x2b: {  	s6 =	sld [smem:$0x3FB3]  }
0x2c: {  	s7 =	sld [smem:$0x3FB4]  }
0x2d: {  	s3 =	simm.s32 $0x108;
	s8 =	sld [smem:$0x3FB5]  }
0x2e: {  	s3 =	simm.s32 @!p0 $0x1082;
	s9 =	sld [smem:$0x3FB6]  }
0x2f: {  	lr =	sadd.s32 s0, s3;
	s0 =	sld [smem:$0x3FAD]  }
0x30: {  	s3 =	sld [smem:$0x3FB0]  }
0x31: {  	[smem:$0x3FB9] =	sst s10  }
0x32: {  	s10 =	sld [smem:$0x3FB7];
	_ =	sdelay $0x3  }
0x33: {  	p0 =	seq.s32 s10, $0x1;
	s10 =	sld [smem:$0x3FB9];
	_ =	sdelay $0x3  }
0x34: {  	[smem:$0x3FB9] =	sst s10  }
0x35: {  	s10 =	sld [smem:$0x3FB8];
	_ =	sdelay $0x3  }
0x36: {  	p1 =	seq.s32 s10, $0x1;
	s10 =	sld [smem:$0x3FB9];
	_ =	sdelay $0x3  }
0x37: {  	[smem:$0x3FB9] =	sst s10  }
0x38: {  	s10 =	sld [smem:$0x3FBA]  }
0x39: {  	_ = 	snop;
	(pc) =	sbr.ind lr, $3  }
0x3a: {  	_ = 	snop  }
0x3b: {  	_ = 	snop  }
0x3c: {  	p2 =	seq.s32 s10, $0x1;
	s10 =	sld [smem:$0x3FB9]  }
0x3d: {  	_ =	shalt  }
0x3e: {  	_ =	shalt  }
0x3f: {  	_ =	shalt  }
0x40: {  	_ =	shalt  }
0x41: {  	_ =	shalt  }
0x42: {  	_ =	shalt  }
0x43: {  	_ =	shalt  }
0x44: {  	_ =	shalt  }
0x45: {  	_ =	shalt  }
0x46: {  	_ =	shalt  }
0x47: {  	_ =	shalt  }
0x48: {  	_ =	shalt  }
0x49: {  	_ =	shalt  }
0x4a: {  	_ =	shalt  }
0x4b: {  	_ =	shalt  }
0x4c: {  	_ =	shalt  }
0x4d: {  	_ =	shalt  }
0x4e: {  	_ =	shalt  }
0x4f: {  	_ =	shalt  }
0x50: {  	_ =	shalt  }
0x51: {  	_ =	shalt  }
0x52: {  	_ =	shalt  }
0x53: {  	_ =	shalt  }
0x54: {  	_ =	shalt  }
0x55: {  	_ =	shalt  }
0x56: {  	_ =	shalt  }
0x57: {  	_ =	shalt  }
0x58: {  	_ =	shalt  }
0x59: {  	_ =	shalt  }
0x5a: {  	_ =	shalt  }
0x5b: {  	_ =	shalt  }
0x5c: {  	_ =	shalt  }
0x5d: {  	_ =	shalt  }
0x5e: {  	_ =	shalt  }
0x5f: {  	_ =	shalt  }
0x60: {  	_ =	shalt  }
0x61: {  	_ =	shalt  }
0x62: {  	_ =	shalt  }
0x63: {  	_ =	shalt  }
0x64: {  	_ =	shalt  }
0x65: {  	_ =	shalt  }
0x66: {  	_ =	shalt  }
0x67: {  	_ =	shalt  }
0x68: {  	_ =	shalt  }
0x69: {  	_ =	shalt  }
0x6a: {  	_ =	shalt  }
0x6b: {  	_ =	shalt  }
0x6c: {  	_ =	shalt  }
0x6d: {  	_ =	shalt  }
0x6e: {  	_ =	shalt  }
0x6f: {  	_ =	shalt  }
0x70: {  	_ =	shalt  }
0x71: {  	_ =	shalt  }
0x72: {  	_ =	shalt  }
0x73: {  	_ =	shalt  }
0x74: {  	_ =	shalt  }
0x75: {  	_ =	shalt  }
0x76: {  	_ =	shalt  }
0x77: {  	_ =	shalt  }
0x78: {  	_ =	shalt  }
0x79: {  	_ =	shalt  }
0x7a: {  	_ =	shalt  }
0x7b: {  	_ =	shalt  }
0x7c: {  	_ =	shalt  }
0x7d: {  	_ =	shalt  }
0x7e: {  	_ =	shalt  }
0x7f: {  	_ =	shalt  }
0x80: {  	_ =	shalt  }
0x81: {  	_ =	shalt  }
0x82: {  	_ =	shalt  }
0x83: {  	_ =	shalt  }
0x84: {  	_ =	shalt  }
0x85: {  	_ =	shalt  }
0x86: {  	_ =	shalt  }
0x87: {  	_ =	shalt  }
.Lfunc_end0:
.L_simem_size_0:
called_computation_lowered:
.L_overlay_start_0:
0x88: {  	s2 =	sld [smem:$0x3FD9]  }
0x89: {  	s3 =	sld [smem:$0x3FFE];
	_ =	sdelay $0x1  }
0x8a: {  	s1 =	srdreg.scid  }
0x8b: {  	s0 =	sand.u32 $0x1, s1  }
0x8c: {  	s14 =	sshll.u32 s0, $0xA;
	s2 =	sadd.s32 s3, s2  }
0x8d: {  	s2 =	sadd.s32 s2, s14  }
0x8e: {  	[smem:$0x3FC5] =	sst s2  }
0x8f: {  	_ = 	snop  }
0x90: {  	s2 =	sld [smem:$0x3FD0];
	_ =	sdelay $0x2  }
0x91: {  	s4 =	simm.s32 $0xA;
	s5 =	simm.s32 $0x10;
	s15 =	sld [smem:$0x3FC9]  }
0x92: {  	[smem:s5], [sflag:s4] =	dma.local [hbm:s2], $0x1  }
0x93: {  	_ =	swait.eq [sflag:s4], $0x1  }
0x94: {  	[sflag:s4] =	ssyncset.done $0x0  }
0x95: {  	[sflag:s4] =	ssyncadd.s32 $0xFFFFFFFF  }
0x96: {  	s16 =	sld [smem:$0x10];
	(tm) =	ssettm $0x1  }
0x97: {  	s17 =	sld [smem:$0x3FFB];
	_ =	sdelay $0x3  }
0x98: {  	_ =	strace s17  }
0x99: {  	s4 =	sld [smem:$0x3FFC];
	_ =	sdelay $0x3  }
0x9a: {  	_ =	strace s4  }
0x9b: {  	s4 =	sld [smem:$0x3FFD];
	_ =	sdelay $0x3  }
0x9c: {  	_ =	strace s4  }
0x9d: {  	_ =	strace $0x8FFFFFFF  }
0x9e: {  	s18 =	sld [smem:$0x3FDB];
	_ =	sdelay $0x1  }
0x9f: {  	s19 =	simm.s32 $_scs_section_size  }
0xa0: {  	s6 =	simm.s32 $_size__tile_overlayer_lowered;
	s7 =	simm.s32 $_tile_overlayer_lowered  }
0xa1: {  	s22 =	simm.s32 $0x1BFF;
	s21 =	sshll.u32 s7, $0x1;
	s4 =	sadd.s32 s19, s18  }
0xa2: {  	s8 =	simm.s32 $0x0;
	s20 =	sshll.u32 s6, $0x1;
	s6 =	sadd.s32 s21, s4  }
0xa3: {  	[timem:s8], [sflag:s22] =	dma.local [hbm:s6], s20  }
0xa4: {  	_ =	swait.ge [sflag:s22], s20  }
0xa5: {  	s5 =	ssub.s32 $0x0, s20;
	[sflag:s22] =	ssyncset.done $0x0  }
0xa6: {  	[sflag:s22] =	ssyncadd.s32 s5;
	_ =	sdelay $0x1  }
0xa7: {  	s23 =	simm.s32 $0x1B8B  }
0xa8: {  	_ =	swait.ge [sflag:s23], $0x1  }
0xa9: {  	[sflag:s23] =	ssyncset.done $0x0  }
0xaa: {  	s25 =	simm.s32 $0x1B8E;
	s24 =	sld [smem:$0x3FFE];
	[sflag:s23] =	ssyncadd.s32 $0xFFFFFFFF  }
0xab: {  	s26 =	simm.s32 $execute0_lowered;
	[smem:$0x3FD2] =	sst s25  }
0xac: {  	s6 =	sshll.u32 s26, $0x1;
	_ =	strace $0x80000046;
	[dreg:$0x1] =	wrdreg $0xFFFFFFFF  }
0xad: {  	s28 =	simm.s32 $_size_execute0_lowered;
	s4 =	sadd.s32 s4, s6;
	[dreg:$0x0] =	wrdreg $0x0  }
0xae: {  	s6 =	sshll.u32 s28, $0x1;
	[dreg:$0x2] =	wrdreg s4  }
0xaf: {  	[dreg:$0x3] =	wrdreg s6  }
0xb0: {  	[dreg:$0x4] =	wrdreg $0xC0  }
0xb1: {  	_ =	task [dreg:s8], $0x5FFFF  }
0xb2: {  	[dreg:$0x1] =	wrdreg $0xFFFFFFFF  }
0xb3: {  	[dreg:$0x0] =	wrdreg $0x60  }
0xb4: {  	[dreg:$0x2] =	wrdreg s15  }
0xb5: {  	[dreg:$0x3] =	wrdreg s16  }
0xb6: {  	[dreg:$0x4] =	wrdreg s24  }
0xb7: {  	[dreg:$0x5] =	wrdreg $0x9  }
0xb8: {  	_ =	task.clear_ibuf [dreg:s8], $0x6FFFF;
	_ =	strace $0x90000046  }
0xb9: {  	s29 =	simm.s32 $0x9;
	_ =	strace $0x80000048  }
0xba: {  	_ =	swait.ge [sflag:s29], $0x1  }
0xbb: {  	[sflag:s29] =	ssyncadd.s32 $0xFFFFFFFF  }
0xbc: {  	_ =	strace $0x90000048  }
0xbd: {  	_ =	sfence  }
0xbe: {  	s30 =	sld [smem:$0x0];
	_ =	sdelay $0x2  }
0xbf: {  	s31 =	sshll.u32 s1, $0xD;
	s1 =	sshrl.u32 s1, $0x2  }
0xc0: {  	s3 =	sand.u32 $0x4000, s31;
	s1 =	sadd.s32 s1, s30  }
0xc1: {  	s0 =	sor.u32 s3, s0;
	s1 =	sshll.u32 s1, $0x11  }
0xc2: {  	s0 =	sor.u32 s1, s0  }
0xc3: {  	s0 =	sadd.s32 $0x8F2B, s0  }
0xc4: {  	[sflag:s0] =	ssyncadd.remote.s32 $0x1  }
0xc5: {  	_ =	sfence.sel $0xFFFF  }
0xc6: {  	[dreg:$0x0] =	wrdreg $0xFFFFFFFF;
	(pc) =	sbr.abs _section_cstart, $3  }
0xc7: {  	[dreg:$0x1] =	wrdreg $0xFFFFFFFF  }
0xc8: {  	_ =	task.clear_ibuf [dreg:s8], $0x2FFFF;
	_ =	strace $0x9FFFFFFF  }
0xc9: {  	(tm) =	ssettm $0x7FFFFFFF  }
tec
execute0_lowered:
.L_overlay_start_1:
0x0: {  	(tag) =	ssettag $0x1  }
0x1: {  	s0 =	rddreg [dreg:$0x0]  }
0x2: {  	s1 =	rddreg [dreg:$0x1]  }
0x3: {  	s3 =	rddreg [dreg:$0x2]  }
0x4: {  	s4 =	srdreg.scid;
	s5 =	stileid.u32;
	s2 =	simm.s32 $0x0  }
0x5: {  	s8 =	simm.s32 $0x3;
	s26 =	simm.s32 $0x80;
	s10 =	simm.s32 $0x2  }
0x6: {  	s13 =	simm.s32 $0x1900;
	s14 =	simm.s32 $0x2100;
	s15 =	simm.s32 $0x2900  }
0x7: {  	s16 =	simm.s32 $0x3100;
	s17 =	simm.s32 $0x3900;
	s18 =	simm.s32 $0x4100  }
0x8: {  	s19 =	simm.s32 $0x4900;
	s20 =	simm.s32 $0x5100;
	s21 =	simm.s32 $0x5900  }
0x9: {  	s22 =	simm.s32 $0x6100;
	s23 =	simm.s32 $0x6900;
	s28 =	simm.s32 $0x8900  }
0xa: {  	s29 =	simm.s32 $0x9100;
	s30 =	simm.s32 $0x9900;
	s31 =	simm.s32 $0xA100  }
0xb: {  	s4 =	sand.u32 $0x1, s4;
	s5 =	sshll.u32 s5, $0x1;
	[smem:$0x7FF] =	sst s2  }
0xc: {  	s9 =	simm.s32 $0xB900;
	s5 =	sor.u32 s4, s5;
	_ =	strace $0x80000047  }
0xd: {  	s7 =	ssub.s32 $0x2, s4;
	s4 =	sadd.s32 $0x600, s3;
	[dreg:$0x6] =	wrdreg s26  }
0xe: {  	s26 =	simm.s32 $0x8100;
	s6 =	sshll.u32 s5, $0x5;
	s24 =	smul.u32 $0x1800, s5  }
0xf: {  	s25 =	sshrl.u32 s7, $0x1;
	s5 =	sadd.s32 $0x700, s3;
	s6 =	sadd.s32 s1, s6  }
0x10: {  	s7 =	ssub.s32 s7, s25;
	s25 =	simm.s32 $0x7900;
	s1 =	simm.s32 $0xB100  }
0x11: {  	v2 =	vlaneseq.u32;
	[dreg:$0x7] =	wrdreg s6;
	s6 =	sadd.s32 $0x10, s6;
	s0 =	sadd.s32 s0, s24  }
0x12: {  	vm0 =	vmmov $0xffff;
	v1 =	vshrl.u32 v2, $0x3;
	s7 =	smax.u32 s7, $0x1;
	s24 =	simm.s32 $0x7100;
	[dreg:$0x4] =	wrdreg s6  }
0x13: {  	v0 =	vand.u32 $0x7, v2;
	v2 =	vor.u32 $0x8, v2;
	v1 =	vmul.u32 $0x8, v1;
	[dreg:$0x5] =	wrdreg s0;
	s6 =	sadd.s32 $0x800, s3;
	s3 =	simm.s32 $0x100  }
.LBB2_1:
0x14: {  	s11 =	rddreg [dreg:$0x7]  }
0x15: {  	[tilespmem:s2], [sflag:$0x3] =	stream.linear.gather [hbm4b:s11+s2], $0x80, $0x38;
	[tilespmem:$0xC100] =	vst v63  }
0x16: {  	_ =	swait.ge [sflag:s8], $0x80  }
0x17: {  	s0 =	rddreg [dreg:$0x4];
	[sflag:s8] =	ssyncset.done $0x0  }
0x18: {  	s12 =	rddreg [dreg:$0x6];
	[sflag:s8] =	ssyncadd.s32 $0xFFFFFF80  }
0x19: {  	[tilespmem:s12], [sflag:$0x3] =	stream.linear.gather [hbm4b:s0+s2], $0x80, $0x38;
	[tilespmem:$0xC100] =	vst v63  }
0x1a: {  	_ =	swait.ge [sflag:s8], $0x80  }
0x1b: {  	[sflag:s8] =	ssyncset.done $0x0  }
0x1c: {  	s0 =	rddreg [dreg:$0x5];
	[sflag:s8] =	ssyncadd.s32 $0xFFFFFF80  }
0x1d: {  	[tilespmem:s3], [sflag:$0x3] =	stream.linear.gather [hbm4b:s0+s2], $0xC000, $0x38;
	[tilespmem:$0xC100] =	vst v63  }
0x1e: {  	_ =	swait.ge [sflag:s8], $0xC000  }
0x1f: {  	[sflag:s8] =	ssyncset.done $0x0  }
0x20: {  	[sflag:s8] =	ssyncadd.s32 $0xFFFF4000  }
0x21: {  	v3 =	vld [tilespmem:$0x0];
	_ =	sdelay $0x4  }
0x22: {  	v4 =	vshrl.u32 v3, $0x3  }
0x23: {  	v4 =	vmul.u32 $0x30, v4  }
0x24: {  	v3 =	vand.u32 $0x7, v3  }
0x25: {  	v3 =	vor.u32 v3, v4  }
0x26: {  	v4 =	vperm.xlane v3, v0;
	_ =	sdelay $0x1  }
0x27: {  	v4 =	vadd.s32 v1, v4;
	_ =	sdelay $0x3  }
0x28: {  	v3 =	vperm.xlane v3, v2  }
0x29: {  	[hbm4b:s4+s2] =	stream.indirect_vreg.scatter [tilespmem:s3], [sflag:$0x1], $0x80, v4, vm0, $0xb8;
	[tilespmem:$0xC100] =	vst v63  }
0x2a: {  	s11 =	simm.s32 $0x900;
	v3 =	vadd.s32 v1, v3  }
0x2b: {  	[hbm4b:s5+s2] =	stream.indirect_vreg.scatter [tilespmem:s11], [sflag:$0x1], $0x80, v4, vm0, $0xb8;
	[tilespmem:$0xC100] =	vst v63  }
0x2c: {  	s12 =	simm.s32 $0x1100  }
0x2d: {  	[hbm4b:s6+s2] =	stream.indirect_vreg.scatter [tilespmem:s12], [sflag:$0x1], $0x80, v4, vm0, $0xb8;
	[tilespmem:$0xC100] =	vst v63  }
0x2e: {  	_ = 	snop  }
0x2f: {  	[hbm4b:s4+s2] =	stream.indirect_vreg.scatter [tilespmem:s13], [sflag:$0x1], $0x80, v3, vm0, $0xb8;
	[tilespmem:$0xC100] =	vst v63  }
0x30: {  	_ = 	snop  }
0x31: {  	[hbm4b:s5+s2] =	stream.indirect_vreg.scatter [tilespmem:s14], [sflag:$0x1], $0x80, v3, vm0, $0xb8;
	[tilespmem:$0xC100] =	vst v63  }
0x32: {  	_ = 	snop  }
0x33: {  	[hbm4b:s6+s2] =	stream.indirect_vreg.scatter [tilespmem:s15], [sflag:$0x1], $0x80, v3, vm0, $0xb8;
	[tilespmem:$0xC100] =	vst v63  }
0x34: {  	v3 =	vld [tilespmem:$0x10];
	_ =	sdelay $0x4  }
0x35: {  	v57 =	vshrl.u32 v3, $0x3  }
0x36: {  	v4 =	vmul.u32 $0x30, v57  }
0x37: {  	v3 =	vand.u32 $0x7, v3  }
0x38: {  	v3 =	vor.u32 v3, v4  }
0x39: {  	v4 =	vperm.xlane v3, v0;
	_ =	sdelay $0x1  }
0x3a: {  	v4 =	vadd.s32 v1, v4;
	_ =	sdelay $0x3  }
0x3b: {  	v3 =	vperm.xlane v3, v2  }
0x3c: {  	[hbm4b:s4+s2] =	stream.indirect_vreg.scatter [tilespmem:s16], [sflag:$0x1], $0x80, v4, vm0, $0xb8;
	[tilespmem:$0xC100] =	vst v63  }
0x3d: {  	v3 =	vadd.s32 v1, v3  }
0x3e: {  	[hbm4b:s5+s2] =	stream.indirect_vreg.scatter [tilespmem:s17], [sflag:$0x1], $0x80, v4, vm0, $0xb8;
	[tilespmem:$0xC100] =	vst v63  }
0x3f: {  	_ = 	snop  }
0x40: {  	[hbm4b:s6+s2] =	stream.indirect_vreg.scatter [tilespmem:s18], [sflag:$0x1], $0x80, v4, vm0, $0xb8;
	[tilespmem:$0xC100] =	vst v63  }
0x41: {  	_ = 	snop  }
0x42: {  	[hbm4b:s4+s2] =	stream.indirect_vreg.scatter [tilespmem:s19], [sflag:$0x1], $0x80, v3, vm0, $0xb8;
	[tilespmem:$0xC100] =	vst v63  }
0x43: {  	_ = 	snop  }
0x44: {  	[hbm4b:s5+s2] =	stream.indirect_vreg.scatter [tilespmem:s20], [sflag:$0x1], $0x80, v3, vm0, $0xb8;
	[tilespmem:$0xC100] =	vst v63  }
0x45: {  	_ = 	snop  }
0x46: {  	[hbm4b:s6+s2] =	stream.indirect_vreg.scatter [tilespmem:s21], [sflag:$0x1], $0x80, v3, vm0, $0xb8;
	[tilespmem:$0xC100] =	vst v63  }
0x47: {  	v3 =	vld [tilespmem:$0x20];
	_ =	sdelay $0x4  }
0x48: {  	v58 =	vshrl.u32 v3, $0x3  }
0x49: {  	v4 =	vmul.u32 $0x30, v58  }
0x4a: {  	v3 =	vand.u32 $0x7, v3  }
0x4b: {  	v3 =	vor.u32 v3, v4  }
0x4c: {  	v4 =	vperm.xlane v3, v0;
	_ =	sdelay $0x1  }
0x4d: {  	v4 =	vadd.s32 v1, v4;
	_ =	sdelay $0x3  }
0x4e: {  	v3 =	vperm.xlane v3, v2  }
0x4f: {  	[hbm4b:s4+s2] =	stream.indirect_vreg.scatter [tilespmem:s22], [sflag:$0x1], $0x80, v4, vm0, $0xb8;
	[tilespmem:$0xC100] =	vst v63  }
0x50: {  	v3 =	vadd.s32 v1, v3  }
0x51: {  	[hbm4b:s5+s2] =	stream.indirect_vreg.scatter [tilespmem:s23], [sflag:$0x1], $0x80, v4, vm0, $0xb8;
	[tilespmem:$0xC100] =	vst v63  }
0x52: {  	_ = 	snop  }
0x53: {  	[hbm4b:s6+s2] =	stream.indirect_vreg.scatter [tilespmem:s24], [sflag:$0x1], $0x80, v4, vm0, $0xb8;
	[tilespmem:$0xC100] =	vst v63  }
0x54: {  	_ = 	snop  }
0x55: {  	[hbm4b:s4+s2] =	stream.indirect_vreg.scatter [tilespmem:s25], [sflag:$0x1], $0x80, v3, vm0, $0xb8;
	[tilespmem:$0xC100] =	vst v63  }
0x56: {  	_ = 	snop  }
0x57: {  	[hbm4b:s5+s2] =	stream.indirect_vreg.scatter [tilespmem:s26], [sflag:$0x1], $0x80, v3, vm0, $0xb8;
	[tilespmem:$0xC100] =	vst v63  }
0x58: {  	_ = 	snop  }
0x59: {  	[hbm4b:s6+s2] =	stream.indirect_vreg.scatter [tilespmem:s28], [sflag:$0x1], $0x80, v3, vm0, $0xb8;
	[tilespmem:$0xC100] =	vst v63  }
0x5a: {  	v3 =	vld [tilespmem:$0x30];
	_ =	sdelay $0x4  }
0x5b: {  	v59 =	vshrl.u32 v3, $0x3  }
0x5c: {  	v4 =	vmul.u32 $0x30, v59  }
0x5d: {  	v3 =	vand.u32 $0x7, v3  }
0x5e: {  	v3 =	vor.u32 v3, v4  }
0x5f: {  	v4 =	vperm.xlane v3, v0;
	_ =	sdelay $0x1  }
0x60: {  	v4 =	vadd.s32 v1, v4;
	_ =	sdelay $0x3  }
0x61: {  	v3 =	vperm.xlane v3, v2  }
0x62: {  	[hbm4b:s4+s2] =	stream.indirect_vreg.scatter [tilespmem:s29], [sflag:$0x1], $0x80, v4, vm0, $0xb8;
	[tilespmem:$0xC100] =	vst v63  }
0x63: {  	v3 =	vadd.s32 v1, v3  }
0x64: {  	[hbm4b:s5+s2] =	stream.indirect_vreg.scatter [tilespmem:s30], [sflag:$0x1], $0x80, v4, vm0, $0xb8;
	[tilespmem:$0xC100] =	vst v63  }
0x65: {  	_ = 	snop  }
0x66: {  	[hbm4b:s6+s2] =	stream.indirect_vreg.scatter [tilespmem:s31], [sflag:$0x1], $0x80, v4, vm0, $0xb8;
	[tilespmem:$0xC100] =	vst v63  }
0x67: {  	s0 =	simm.s32 $0xA900  }
0x68: {  	[hbm4b:s4+s2] =	stream.indirect_vreg.scatter [tilespmem:s0], [sflag:$0x1], $0x80, v3, vm0, $0xb8;
	[tilespmem:$0xC100] =	vst v63  }
0x69: {  	_ = 	snop  }
0x6a: {  	[hbm4b:s5+s2] =	stream.indirect_vreg.scatter [tilespmem:s1], [sflag:$0x1], $0x80, v3, vm0, $0xb8;
	[tilespmem:$0xC100] =	vst v63  }
0x6b: {  	_ = 	snop  }
0x6c: {  	[hbm4b:s6+s2] =	stream.indirect_vreg.scatter [tilespmem:s9], [sflag:$0x1], $0x80, v3, vm0, $0xb8;
	[tilespmem:$0xC100] =	vst v63  }
0x6d: {  	v3 =	vld [tilespmem:$0x80];
	_ =	sdelay $0x4  }
0x6e: {  	v60 =	vshrl.u32 v3, $0x3  }
0x6f: {  	v4 =	vmul.u32 $0x30, v60  }
0x70: {  	v3 =	vand.u32 $0x7, v3  }
0x71: {  	v3 =	vor.u32 v3, v4  }
0x72: {  	v4 =	vperm.xlane v3, v0;
	_ =	sdelay $0x1  }
0x73: {  	v4 =	vadd.s32 v1, v4;
	_ =	sdelay $0x3  }
0x74: {  	v3 =	vperm.xlane v3, v2  }
0x75: {  	[hbm4b:s4+s2] =	stream.indirect_vreg.scatter [tilespmem:s3], [sflag:$0x2], $0x80, v4, vm0, $0xb8;
	[tilespmem:$0xC100] =	vst v63  }
0x76: {  	v3 =	vadd.s32 v1, v3  }
0x77: {  	[hbm4b:s5+s2] =	stream.indirect_vreg.scatter [tilespmem:s11], [sflag:$0x2], $0x80, v4, vm0, $0xb8;
	[tilespmem:$0xC100] =	vst v63  }
0x78: {  	_ = 	snop  }
0x79: {  	[hbm4b:s6+s2] =	stream.indirect_vreg.scatter [tilespmem:s12], [sflag:$0x2], $0x80, v4, vm0, $0xb8;
	[tilespmem:$0xC100] =	vst v63  }
0x7a: {  	_ = 	snop  }
0x7b: {  	[hbm4b:s4+s2] =	stream.indirect_vreg.scatter [tilespmem:s13], [sflag:$0x2], $0x80, v3, vm0, $0xb8;
	[tilespmem:$0xC100] =	vst v63  }
0x7c: {  	_ = 	snop  }
0x7d: {  	[hbm4b:s5+s2] =	stream.indirect_vreg.scatter [tilespmem:s14], [sflag:$0x2], $0x80, v3, vm0, $0xb8;
	[tilespmem:$0xC100] =	vst v63  }
0x7e: {  	_ = 	snop  }
0x7f: {  	[hbm4b:s6+s2] =	stream.indirect_vreg.scatter [tilespmem:s15], [sflag:$0x2], $0x80, v3, vm0, $0xb8;
	[tilespmem:$0xC100] =	vst v63  }
0x80: {  	v3 =	vld [tilespmem:$0x90];
	_ =	sdelay $0x4  }
0x81: {  	v61 =	vshrl.u32 v3, $0x3  }
0x82: {  	v4 =	vmul.u32 $0x30, v61  }
0x83: {  	v3 =	vand.u32 $0x7, v3  }
0x84: {  	v3 =	vor.u32 v3, v4  }
0x85: {  	v4 =	vperm.xlane v3, v0;
	_ =	sdelay $0x1  }
0x86: {  	v4 =	vadd.s32 v1, v4;
	_ =	sdelay $0x3  }
0x87: {  	v3 =	vperm.xlane v3, v2  }
0x88: {  	[hbm4b:s4+s2] =	stream.indirect_vreg.scatter [tilespmem:s16], [sflag:$0x2], $0x80, v4, vm0, $0xb8;
	[tilespmem:$0xC100] =	vst v63  }
0x89: {  	v3 =	vadd.s32 v1, v3  }
0x8a: {  	[hbm4b:s5+s2] =	stream.indirect_vreg.scatter [tilespmem:s17], [sflag:$0x2], $0x80, v4, vm0, $0xb8;
	[tilespmem:$0xC100] =	vst v63  }
0x8b: {  	_ = 	snop  }
0x8c: {  	[hbm4b:s6+s2] =	stream.indirect_vreg.scatter [tilespmem:s18], [sflag:$0x2], $0x80, v4, vm0, $0xb8;
	[tilespmem:$0xC100] =	vst v63  }
0x8d: {  	_ = 	snop  }
0x8e: {  	[hbm4b:s4+s2] =	stream.indirect_vreg.scatter [tilespmem:s19], [sflag:$0x2], $0x80, v3, vm0, $0xb8;
	[tilespmem:$0xC100] =	vst v63  }
0x8f: {  	_ = 	snop  }
0x90: {  	[hbm4b:s5+s2] =	stream.indirect_vreg.scatter [tilespmem:s20], [sflag:$0x2], $0x80, v3, vm0, $0xb8;
	[tilespmem:$0xC100] =	vst v63  }
0x91: {  	_ = 	snop  }
0x92: {  	[hbm4b:s6+s2] =	stream.indirect_vreg.scatter [tilespmem:s21], [sflag:$0x2], $0x80, v3, vm0, $0xb8;
	[tilespmem:$0xC100] =	vst v63  }
0x93: {  	v3 =	vld [tilespmem:$0xA0];
	_ =	sdelay $0x4  }
0x94: {  	v62 =	vshrl.u32 v3, $0x3  }
0x95: {  	v4 =	vmul.u32 $0x30, v62  }
0x96: {  	v3 =	vand.u32 $0x7, v3  }
0x97: {  	v3 =	vor.u32 v3, v4  }
0x98: {  	v4 =	vperm.xlane v3, v0;
	_ =	sdelay $0x1  }
0x99: {  	v4 =	vadd.s32 v1, v4;
	_ =	sdelay $0x3  }
0x9a: {  	v3 =	vperm.xlane v3, v2  }
0x9b: {  	[hbm4b:s4+s2] =	stream.indirect_vreg.scatter [tilespmem:s22], [sflag:$0x2], $0x80, v4, vm0, $0xb8;
	[tilespmem:$0xC100] =	vst v63  }
0x9c: {  	v3 =	vadd.s32 v1, v3  }
0x9d: {  	[hbm4b:s5+s2] =	stream.indirect_vreg.scatter [tilespmem:s23], [sflag:$0x2], $0x80, v4, vm0, $0xb8;
	[tilespmem:$0xC100] =	vst v63  }
0x9e: {  	_ = 	snop  }
0x9f: {  	[hbm4b:s6+s2] =	stream.indirect_vreg.scatter [tilespmem:s24], [sflag:$0x2], $0x80, v4, vm0, $0xb8;
	[tilespmem:$0xC100] =	vst v63  }
0xa0: {  	_ = 	snop  }
0xa1: {  	[hbm4b:s4+s2] =	stream.indirect_vreg.scatter [tilespmem:s25], [sflag:$0x2], $0x80, v3, vm0, $0xb8;
	[tilespmem:$0xC100] =	vst v63  }
0xa2: {  	_ = 	snop  }
0xa3: {  	[hbm4b:s5+s2] =	stream.indirect_vreg.scatter [tilespmem:s26], [sflag:$0x2], $0x80, v3, vm0, $0xb8;
	[tilespmem:$0xC100] =	vst v63  }
0xa4: {  	_ = 	snop  }
0xa5: {  	[hbm4b:s6+s2] =	stream.indirect_vreg.scatter [tilespmem:s28], [sflag:$0x2], $0x80, v3, vm0, $0xb8;
	[tilespmem:$0xC100] =	vst v63  }
0xa6: {  	v3 =	vld [tilespmem:$0xB0];
	_ =	sdelay $0x4  }
0xa7: {  	v63 =	vshrl.u32 v3, $0x3  }
0xa8: {  	v4 =	vmul.u32 $0x30, v63  }
0xa9: {  	v3 =	vand.u32 $0x7, v3  }
0xaa: {  	v3 =	vor.u32 v3, v4  }
0xab: {  	v4 =	vperm.xlane v3, v0;
	_ =	sdelay $0x1  }
0xac: {  	v4 =	vadd.s32 v1, v4;
	_ =	sdelay $0x3  }
0xad: {  	v3 =	vperm.xlane v3, v2  }
0xae: {  	[hbm4b:s4+s2] =	stream.indirect_vreg.scatter [tilespmem:s29], [sflag:$0x2], $0x80, v4, vm0, $0xb8;
	[tilespmem:$0xC100] =	vst v63  }
0xaf: {  	v3 =	vadd.s32 v1, v3  }
0xb0: {  	[hbm4b:s5+s2] =	stream.indirect_vreg.scatter [tilespmem:s30], [sflag:$0x2], $0x80, v4, vm0, $0xb8;
	[tilespmem:$0xC100] =	vst v63  }
0xb1: {  	_ = 	snop  }
0xb2: {  	[hbm4b:s6+s2] =	stream.indirect_vreg.scatter [tilespmem:s31], [sflag:$0x2], $0x80, v4, vm0, $0xb8;
	[tilespmem:$0xC100] =	vst v63  }
0xb3: {  	_ = 	snop  }
0xb4: {  	[hbm4b:s4+s2] =	stream.indirect_vreg.scatter [tilespmem:s0], [sflag:$0x2], $0x80, v3, vm0, $0xb8;
	[tilespmem:$0xC100] =	vst v63  }
0xb5: {  	_ = 	snop  }
0xb6: {  	[hbm4b:s5+s2] =	stream.indirect_vreg.scatter [tilespmem:s1], [sflag:$0x2], $0x80, v3, vm0, $0xb8;
	[tilespmem:$0xC100] =	vst v63  }
0xb7: {  	s12 =	simm.s32 $0x1  }
0xb8: {  	[hbm4b:s6+s2] =	stream.indirect_vreg.scatter [tilespmem:s9], [sflag:$0x2], $0x80, v3, vm0, $0xb8;
	[tilespmem:$0xC100] =	vst v63  }
0xb9: {  	p0 =	sne.s32 s7, $0x1;
	_ =	swait.ge [sflag:s12], $0xC000  }
.Ltmp0:
0xba: {  	[sflag:s12] =	ssyncset.done $0x0;
	(pc) =	sbr.rel @p0 .LBB2_1-.Ltmp0, $4  }
0xbb: {  	[sflag:s12] =	ssyncadd.s32 $0xFFFF4000  }
0xbc: {  	_ =	swait.ge [sflag:s10], $0xC000  }
0xbd: {  	[sflag:s10] =	ssyncset.done $0x0  }
0xbe: {  	s7 =	sadd.s32 $0xFFFFFFFF, s7;
	[sflag:s10] =	ssyncadd.s32 $0xFFFF4000  }
0xbf: {  	_ =	sfence.sel $0x180000  }
0xc0: {  	[bflag:$0x0] =	sbarrier.arrive $0xFFFF  }
0xc1: {  	_ =	strace $0x90000047  }
0xc2: {  	s0 =	stileid.u32;
	[bflag:$0x2] =	sbarrier.arrive $0xFFFF  }
0xc3: {  	p0 =	sne.s32 s0, $0x0;
	s0 =	rddreg [dreg:$0x3]  }
0xc4: {  	s0 =	sadd.s32 @!p0 $0x100000, s0  }
0xc5: {  	[sflag:s0] =	ssyncadd.tile.s32 @!p0 $0x1;
	_ =	shalt  }
.Lfunc_end2:
_tile_overlayer_lowered:
.L_overlay_start_2:
0xc6: {  	(tag) =	ssettag $0x2  }
0xc7: {  	s0 =	rddreg [dreg:$0x0];
	s2 =	stileid.u32  }
0xc8: {  	s1 =	rddreg [dreg:$0x1];
	p0 =	sne.s32 s2, $0x0  }
0xc9: {  	s3 =	rddreg [dreg:$0x2];
	[bflag:$0x3] =	sbarrier.arrive $0xFFFF;
	s2 =	simm.s32 @!p0 $0x1C03  }
0xca: {  	[timem:s3], [sflag:s2] =	dma.local @!p0 [hbm:s0], s1  }
0xcb: {  	s0 =	simm.s32 @!p0 $0x3  }
0xcc: {  	_ =	swait.ge @!p0 [sflag:s0], s1  }
0xcd: {  	s1 =	ssub.s32 @!p0 $0x0, s1;
	[sflag:s0] =	ssyncset.done @!p0 $0x0  }
0xce: {  	[sflag:s0] =	ssyncadd.s32 @!p0 s1  }
0xcf: {  	[bflag:$0x3] =	sbarrier.arrive $0xFFFF  }
0xd0: {  	_ =	shalt  }

</sc_bundles>
